<compile_context>
chip_gen: v7x
topology: tpu7x:2x2x1
jax: 0.10.2.dev20260603
libtpu: 0.0.44.dev20260713+nightly
codegen_flags: <defaults>
</compile_context>

<pallas_src>
import functools

import jax
import jax.numpy as jnp
from jax import lax
from jax.experimental import pallas as pl
from jax.experimental.pallas import tpu as pltpu
from jax.experimental.pallas import tpu_sc as plsc

EMBED_DIM = 128
CHUNK = 128
NBUF = 4
NUM_CORES = 2
NUM_SUBCORES = 16
NUM_WORKERS = NUM_CORES * NUM_SUBCORES


@functools.partial(jax.jit, static_argnums=(2,))
def _gather(table, idx2d, rows_per_worker):
    n_rows = idx2d.shape[0]
    n_groups = rows_per_worker // NBUF

    mesh = plsc.VectorSubcoreMesh(core_axis_name="c", subcore_axis_name="s")

    @functools.partial(
        pl.kernel,
        mesh=mesh,
        out_type=jax.ShapeDtypeStruct((n_rows * CHUNK, EMBED_DIM), jnp.float32),
        scratch_types=[
            pltpu.VMEM((rows_per_worker, CHUNK), jnp.int32),
            pltpu.VMEM((NBUF, CHUNK, EMBED_DIM), jnp.float32),
        ] + [pltpu.SemaphoreType.DMA] * (2 * NBUF),
    )
    def k(table_hbm, idx_hbm, out_hbm, idx_v, rows_v, *sems):
        gsem, osem = sems[:NBUF], sems[NBUF:]
        wid = lax.axis_index("s") * NUM_CORES + lax.axis_index("c")
        rbase = wid * rows_per_worker
        pltpu.sync_copy(idx_hbm.at[pl.ds(rbase, rows_per_worker)], idx_v)

        def fire_gather(j, b):
            pltpu.async_copy(table_hbm.at[idx_v.at[j]], rows_v.at[b], gsem[b])

        for b in range(NBUF):
            fire_gather(b, b)

        def group(g, carry):
            for b in range(NBUF):
                j = g * NBUF + b
                pltpu.make_async_copy(
                    table_hbm.at[idx_v.at[j]], rows_v.at[b], gsem[b]).wait()
                pltpu.async_copy(
                    rows_v.at[b],
                    out_hbm.at[pl.ds((rbase + j) * CHUNK, CHUNK)], osem[b])
            for b in range(NBUF):
                j = g * NBUF + b
                pltpu.make_async_copy(
                    rows_v.at[b],
                    out_hbm.at[pl.ds((rbase + j) * CHUNK, CHUNK)],
                    osem[b]).wait()

                @pl.when(g + 1 < n_groups)
                def _():
                    fire_gather((g + 1) * NBUF + b, b)

            return carry

        lax.fori_loop(0, n_groups, group, 0)

    return k(table, idx2d)


def kernel(inputs, table):
    b, s = inputs.shape
    total = b * s
    n_rows = total // CHUNK
    idx2d = inputs.reshape(n_rows, CHUNK)
    out = _gather(table, idx2d, n_rows // NUM_WORKERS)
    return out.reshape(b, s, EMBED_DIM)

# --- scband reference (transcript-rebuilt; emitter-appended) ---
"""Pipeline reference for scband-play-card-action-embedding-91130616086888 (READ-ONLY COPY).

The authoritative reference and input builder live on the scoring server;
editing this copy changes nothing except your own understanding.
"""

import jax, jax.numpy as jnp
import numpy as np

NUM_ACTION = 100000
EMBED_DIM = 128

def setup_inputs(seed: int = 0) -> dict:
    key = jax.random.key(seed)
    k1, k2 = jax.random.split(key)
    inputs = jax.random.randint(k1, (4096, 200), 0, NUM_ACTION, dtype=jnp.int64 if jax.config.jax_enable_x64 else jnp.int32)
    table = jax.random.normal(k2, (NUM_ACTION, EMBED_DIM), dtype=jnp.float32)
    return {"inputs": inputs, "table": table}

def reference(inputs, table):
    # nn.Embedding forward: gather rows of the embedding table
    return jnp.take(table, inputs, axis=0)

if __name__ == "__main__":
    import jax
    _d = setup_inputs()
    print(jax.jit(kernel)(*tuple(_d.values())))

</pallas_src>

<mosaic_0001>
#map = affine_map<(d0, d1) -> (0, 0)>
module attributes {stable_mosaic.version = 14 : i64} {
  func.func @k(%arg0: i32, %arg1: i32, %arg2: memref<100000x128xf32, #tpu.memory_space<hbm>>, %arg3: memref<6400x128xi32, #tpu.memory_space<hbm>>, %arg4: memref<819200x128xf32, #tpu.memory_space<hbm>>, %arg5: memref<200x128xi32, #tpu.memory_space<vmem>>, %arg6: memref<4x128x128xf32, #tpu.memory_space<vmem>>, %arg7: memref<!tpu.dma_semaphore, #tpu.memory_space<semaphore_mem>>, %arg8: memref<!tpu.dma_semaphore, #tpu.memory_space<semaphore_mem>>, %arg9: memref<!tpu.dma_semaphore, #tpu.memory_space<semaphore_mem>>, %arg10: memref<!tpu.dma_semaphore, #tpu.memory_space<semaphore_mem>>, %arg11: memref<!tpu.dma_semaphore, #tpu.memory_space<semaphore_mem>>, %arg12: memref<!tpu.dma_semaphore, #tpu.memory_space<semaphore_mem>>, %arg13: memref<!tpu.dma_semaphore, #tpu.memory_space<semaphore_mem>>, %arg14: memref<!tpu.dma_semaphore, #tpu.memory_space<semaphore_mem>>) attributes {dimension_semantics = [#tpu.dimension_semantics<core_parallel>, #tpu.dimension_semantics<subcore_parallel>], iteration_bounds = array<i64: 2, 16>, scalar_prefetch = 0 : i64, scratch_operands = 10 : i64, tpu.core_type = #tpu.core_type<sc_vector_subcore>, window_params = [{transform_indices = #map}, {transform_indices = #map}, {transform_indices = #map}]} {
    %mul3A = arith.constant 2 : i32
    %mul3A_0 = arith.muli %arg1, %mul3A : i32
    %add3A = arith.addi %mul3A_0, %arg0 : i32
    %mul3A_1 = arith.constant 200 : i32
    %mul3A_2 = arith.muli %add3A, %mul3A_1 : i32
    "tpu.region"() ({
      %run_scoped3A = tpu.sem_alloc : memref<!tpu.dma_semaphore, #tpu.memory_space<semaphore_mem>>
      %dma_start3A_55 = arith.constant 0 : i32
      %dma_start3A_56 = tpu.memref_slice %arg3[%mul3A_2, %dma_start3A_55] : memref<6400x128xi32, #tpu.memory_space<hbm>> -> memref<200x128xi32, #tpu.memory_space<hbm>>
      %dma_start3A_57 = arith.constant 0 : i32
      %dma_start3A_58 = tpu.memref_slice %arg3[%mul3A_2, %dma_start3A_57] : memref<6400x128xi32, #tpu.memory_space<hbm>> -> memref<200x128xi32, #tpu.memory_space<hbm>>
      tpu.enqueue_dma source(%dma_start3A_58 : memref<200x128xi32, #tpu.memory_space<hbm>>) target(%arg5 : memref<200x128xi32, #tpu.memory_space<vmem>>) target_semaphore(%run_scoped3A : memref<!tpu.dma_semaphore, #tpu.memory_space<semaphore_mem>>)
      %dma_wait3A = arith.constant 0 : i32
      %dma_wait3A_59 = tpu.memref_slice %arg3[%mul3A_2, %dma_wait3A] : memref<6400x128xi32, #tpu.memory_space<hbm>> -> memref<200x128xi32, #tpu.memory_space<hbm>>
      %dma_wait3A_60 = arith.constant 0 : i32
      %dma_wait3A_61 = tpu.memref_slice %arg3[%mul3A_2, %dma_wait3A_60] : memref<6400x128xi32, #tpu.memory_space<hbm>> -> memref<200x128xi32, #tpu.memory_space<hbm>>
      tpu.wait_dma2 semaphore(%run_scoped3A : memref<!tpu.dma_semaphore, #tpu.memory_space<semaphore_mem>>) src(%dma_wait3A_61 : memref<200x128xi32, #tpu.memory_space<hbm>>) dst(%arg5 : memref<200x128xi32, #tpu.memory_space<vmem>>)
      tpu.yield
    }) : () -> ()
    %dma_start3A = arith.constant 0 : i32
    %dma_start3A_3 = arith.constant 0 : i32
    %dma_start3A_4 = arith.constant 0 : i32
    %dma_start3A_5 = arith.constant 0 : i32
    %dma_start3A_6 = tpu.memref_slice %arg6[%dma_start3A_3, %dma_start3A_4, %dma_start3A_5] : memref<4x128x128xf32, #tpu.memory_space<vmem>> -> memref<1x128x128xf32, #tpu.memory_space<vmem>>
    %dma_start3A_7 = tpu.memref_squeeze %dma_start3A_6 : memref<1x128x128xf32, #tpu.memory_space<vmem>> -> memref<128x128xf32, #tpu.memory_space<vmem>>
    %dma_start3A_8 = arith.constant 0 : i32
    %dma_start3A_9 = tpu.memref_slice %arg5[%dma_start3A, %dma_start3A_8] : memref<200x128xi32, #tpu.memory_space<vmem>> -> memref<1x128xi32, #tpu.memory_space<vmem>>
    %dma_start3A_10 = tpu.memref_squeeze %dma_start3A_9 : memref<1x128xi32, #tpu.memory_space<vmem>> -> memref<128xi32, #tpu.memory_space<vmem>>
    %dma_start3A_11 = arith.constant 0 : i32
    %dma_start3A_12 = arith.constant 0 : i32
    %dma_start3A_13 = tpu.memref_slice %arg2[%dma_start3A_11, %dma_start3A_12] : memref<100000x128xf32, #tpu.memory_space<hbm>> -> memref<100000x128xf32, #tpu.memory_space<hbm>>
    tpu.enqueue_indirect_dma source(%dma_start3A_13 : memref<100000x128xf32, #tpu.memory_space<hbm>>) target(%dma_start3A_7 : memref<128x128xf32, #tpu.memory_space<vmem>>) offsets(%dma_start3A_10 : memref<128xi32, #tpu.memory_space<vmem>>) semaphore(%arg7 : memref<!tpu.dma_semaphore, #tpu.memory_space<semaphore_mem>>)
    %dma_start3A_14 = arith.constant 1 : i32
    %dma_start3A_15 = arith.constant 1 : i32
    %dma_start3A_16 = arith.constant 0 : i32
    %dma_start3A_17 = arith.constant 0 : i32
    %dma_start3A_18 = tpu.memref_slice %arg6[%dma_start3A_15, %dma_start3A_16, %dma_start3A_17] : memref<4x128x128xf32, #tpu.memory_space<vmem>> -> memref<1x128x128xf32, #tpu.memory_space<vmem>>
    %dma_start3A_19 = tpu.memref_squeeze %dma_start3A_18 : memref<1x128x128xf32, #tpu.memory_space<vmem>> -> memref<128x128xf32, #tpu.memory_space<vmem>>
    %dma_start3A_20 = arith.constant 0 : i32
    %dma_start3A_21 = tpu.memref_slice %arg5[%dma_start3A_14, %dma_start3A_20] : memref<200x128xi32, #tpu.memory_space<vmem>> -> memref<1x128xi32, #tpu.memory_space<vmem>>
    %dma_start3A_22 = tpu.memref_squeeze %dma_start3A_21 : memref<1x128xi32, #tpu.memory_space<vmem>> -> memref<128xi32, #tpu.memory_space<vmem>>
    %dma_start3A_23 = arith.constant 0 : i32
    %dma_start3A_24 = arith.constant 0 : i32
    %dma_start3A_25 = tpu.memref_slice %arg2[%dma_start3A_23, %dma_start3A_24] : memref<100000x128xf32, #tpu.memory_space<hbm>> -> memref<100000x128xf32, #tpu.memory_space<hbm>>
    tpu.enqueue_indirect_dma source(%dma_start3A_25 : memref<100000x128xf32, #tpu.memory_space<hbm>>) target(%dma_start3A_19 : memref<128x128xf32, #tpu.memory_space<vmem>>) offsets(%dma_start3A_22 : memref<128xi32, #tpu.memory_space<vmem>>) semaphore(%arg8 : memref<!tpu.dma_semaphore, #tpu.memory_space<semaphore_mem>>)
    %dma_start3A_26 = arith.constant 2 : i32
    %dma_start3A_27 = arith.constant 2 : i32
    %dma_start3A_28 = arith.constant 0 : i32
    %dma_start3A_29 = arith.constant 0 : i32
    %dma_start3A_30 = tpu.memref_slice %arg6[%dma_start3A_27, %dma_start3A_28, %dma_start3A_29] : memref<4x128x128xf32, #tpu.memory_space<vmem>> -> memref<1x128x128xf32, #tpu.memory_space<vmem>>
    %dma_start3A_31 = tpu.memref_squeeze %dma_start3A_30 : memref<1x128x128xf32, #tpu.memory_space<vmem>> -> memref<128x128xf32, #tpu.memory_space<vmem>>
    %dma_start3A_32 = arith.constant 0 : i32
    %dma_start3A_33 = tpu.memref_slice %arg5[%dma_start3A_26, %dma_start3A_32] : memref<200x128xi32, #tpu.memory_space<vmem>> -> memref<1x128xi32, #tpu.memory_space<vmem>>
    %dma_start3A_34 = tpu.memref_squeeze %dma_start3A_33 : memref<1x128xi32, #tpu.memory_space<vmem>> -> memref<128xi32, #tpu.memory_space<vmem>>
    %dma_start3A_35 = arith.constant 0 : i32
    %dma_start3A_36 = arith.constant 0 : i32
    %dma_start3A_37 = tpu.memref_slice %arg2[%dma_start3A_35, %dma_start3A_36] : memref<100000x128xf32, #tpu.memory_space<hbm>> -> memref<100000x128xf32, #tpu.memory_space<hbm>>
    tpu.enqueue_indirect_dma source(%dma_start3A_37 : memref<100000x128xf32, #tpu.memory_space<hbm>>) target(%dma_start3A_31 : memref<128x128xf32, #tpu.memory_space<vmem>>) offsets(%dma_start3A_34 : memref<128xi32, #tpu.memory_space<vmem>>) semaphore(%arg9 : memref<!tpu.dma_semaphore, #tpu.memory_space<semaphore_mem>>)
    %dma_start3A_38 = arith.constant 3 : i32
    %dma_start3A_39 = arith.constant 3 : i32
    %dma_start3A_40 = arith.constant 0 : i32
    %dma_start3A_41 = arith.constant 0 : i32
    %dma_start3A_42 = tpu.memref_slice %arg6[%dma_start3A_39, %dma_start3A_40, %dma_start3A_41] : memref<4x128x128xf32, #tpu.memory_space<vmem>> -> memref<1x128x128xf32, #tpu.memory_space<vmem>>
    %dma_start3A_43 = tpu.memref_squeeze %dma_start3A_42 : memref<1x128x128xf32, #tpu.memory_space<vmem>> -> memref<128x128xf32, #tpu.memory_space<vmem>>
    %dma_start3A_44 = arith.constant 0 : i32
    %dma_start3A_45 = tpu.memref_slice %arg5[%dma_start3A_38, %dma_start3A_44] : memref<200x128xi32, #tpu.memory_space<vmem>> -> memref<1x128xi32, #tpu.memory_space<vmem>>
    %dma_start3A_46 = tpu.memref_squeeze %dma_start3A_45 : memref<1x128xi32, #tpu.memory_space<vmem>> -> memref<128xi32, #tpu.memory_space<vmem>>
    %dma_start3A_47 = arith.constant 0 : i32
    %dma_start3A_48 = arith.constant 0 : i32
    %dma_start3A_49 = tpu.memref_slice %arg2[%dma_start3A_47, %dma_start3A_48] : memref<100000x128xf32, #tpu.memory_space<hbm>> -> memref<100000x128xf32, #tpu.memory_space<hbm>>
    tpu.enqueue_indirect_dma source(%dma_start3A_49 : memref<100000x128xf32, #tpu.memory_space<hbm>>) target(%dma_start3A_43 : memref<128x128xf32, #tpu.memory_space<vmem>>) offsets(%dma_start3A_46 : memref<128xi32, #tpu.memory_space<vmem>>) semaphore(%arg10 : memref<!tpu.dma_semaphore, #tpu.memory_space<semaphore_mem>>)
    %scan3A = arith.constant 0 : i32
    %scan3A_50 = arith.constant 0 : i32
    %scan3A_51 = arith.constant 50 : i32
    %scan3A_52 = arith.addi %scan3A_50, %scan3A_51 : i32
    %scan3A_53 = arith.constant 1 : i32
    scf.for %scan3A_55 = %scan3A_50 to %scan3A_52 step %scan3A_53  : i32 {
      %mul3A_56 = arith.constant 4 : i32
      %mul3A_57 = arith.muli %scan3A_55, %mul3A_56 : i32
      %add3A_58 = arith.constant 0 : i32
      %add3A_59 = arith.addi %mul3A_57, %add3A_58 : i32
      %dma_wait3A = arith.constant 0 : i32
      %dma_wait3A_60 = arith.constant 0 : i32
      %dma_wait3A_61 = arith.constant 0 : i32
      %dma_wait3A_62 = tpu.memref_slice %arg6[%dma_wait3A, %dma_wait3A_60, %dma_wait3A_61] : memref<4x128x128xf32, #tpu.memory_space<vmem>> -> memref<1x128x128xf32, #tpu.memory_space<vmem>>
      %dma_wait3A_63 = tpu.memref_squeeze %dma_wait3A_62 : memref<1x128x128xf32, #tpu.memory_space<vmem>> -> memref<128x128xf32, #tpu.memory_space<vmem>>
      %dma_wait3A_64 = arith.constant 0 : i32
      %dma_wait3A_65 = tpu.memref_slice %arg5[%add3A_59, %dma_wait3A_64] : memref<200x128xi32, #tpu.memory_space<vmem>> -> memref<1x128xi32, #tpu.memory_space<vmem>>
      %dma_wait3A_66 = tpu.memref_squeeze %dma_wait3A_65 : memref<1x128xi32, #tpu.memory_space<vmem>> -> memref<128xi32, #tpu.memory_space<vmem>>
      %dma_wait3A_67 = arith.constant 0 : i32
      %dma_wait3A_68 = arith.constant 0 : i32
      %dma_wait3A_69 = tpu.memref_slice %arg2[%dma_wait3A_67, %dma_wait3A_68] : memref<100000x128xf32, #tpu.memory_space<hbm>> -> memref<100000x128xf32, #tpu.memory_space<hbm>>
      tpu.wait_indirect_dma semaphore(%arg7 : memref<!tpu.dma_semaphore, #tpu.memory_space<semaphore_mem>>) src(%dma_wait3A_69 : memref<100000x128xf32, #tpu.memory_space<hbm>>) dst(%dma_wait3A_63 : memref<128x128xf32, #tpu.memory_space<vmem>>)
      %add3A_70 = arith.addi %mul3A_2, %add3A_59 : i32
      %mul3A_71 = arith.constant 128 : i32
      %mul3A_72 = arith.muli %add3A_70, %mul3A_71 : i32
      %dma_start3A_73 = arith.constant 0 : i32
      %dma_start3A_74 = arith.constant 0 : i32
      %dma_start3A_75 = arith.constant 0 : i32
      %dma_start3A_76 = tpu.memref_slice %arg6[%dma_start3A_73, %dma_start3A_74, %dma_start3A_75] : memref<4x128x128xf32, #tpu.memory_space<vmem>> -> memref<1x128x128xf32, #tpu.memory_space<vmem>>
      %dma_start3A_77 = tpu.memref_squeeze %dma_start3A_76 : memref<1x128x128xf32, #tpu.memory_space<vmem>> -> memref<128x128xf32, #tpu.memory_space<vmem>>
      %dma_start3A_78 = arith.constant 0 : i32
      %dma_start3A_79 = tpu.memref_slice %arg4[%mul3A_72, %dma_start3A_78] : memref<819200x128xf32, #tpu.memory_space<hbm>> -> memref<128x128xf32, #tpu.memory_space<hbm>>
      %dma_start3A_80 = arith.constant 0 : i32
      %dma_start3A_81 = tpu.memref_slice %arg4[%mul3A_72, %dma_start3A_80] : memref<819200x128xf32, #tpu.memory_space<hbm>> -> memref<128x128xf32, #tpu.memory_space<hbm>>
      %dma_start3A_82 = arith.constant 0 : i32
      %dma_start3A_83 = arith.constant 0 : i32
      %dma_start3A_84 = tpu.memref_slice %arg6[%dma_start3A_73, %dma_start3A_82, %dma_start3A_83] : memref<4x128x128xf32, #tpu.memory_space<vmem>> -> memref<1x128x128xf32, #tpu.memory_space<vmem>>
      %dma_start3A_85 = tpu.memref_squeeze %dma_start3A_84 : memref<1x128x128xf32, #tpu.memory_space<vmem>> -> memref<128x128xf32, #tpu.memory_space<vmem>>
      tpu.enqueue_dma source(%dma_start3A_85 : memref<128x128xf32, #tpu.memory_space<vmem>>) target(%dma_start3A_81 : memref<128x128xf32, #tpu.memory_space<hbm>>) target_semaphore(%arg11 : memref<!tpu.dma_semaphore, #tpu.memory_space<semaphore_mem>>)
      %mul3A_86 = arith.constant 4 : i32
      %mul3A_87 = arith.muli %scan3A_55, %mul3A_86 : i32
      %add3A_88 = arith.constant 1 : i32
      %add3A_89 = arith.addi %mul3A_87, %add3A_88 : i32
      %dma_wait3A_90 = arith.constant 1 : i32
      %dma_wait3A_91 = arith.constant 0 : i32
      %dma_wait3A_92 = arith.constant 0 : i32
      %dma_wait3A_93 = tpu.memref_slice %arg6[%dma_wait3A_90, %dma_wait3A_91, %dma_wait3A_92] : memref<4x128x128xf32, #tpu.memory_space<vmem>> -> memref<1x128x128xf32, #tpu.memory_space<vmem>>
      %dma_wait3A_94 = tpu.memref_squeeze %dma_wait3A_93 : memref<1x128x128xf32, #tpu.memory_space<vmem>> -> memref<128x128xf32, #tpu.memory_space<vmem>>
      %dma_wait3A_95 = arith.constant 0 : i32
      %dma_wait3A_96 = tpu.memref_slice %arg5[%add3A_89, %dma_wait3A_95] : memref<200x128xi32, #tpu.memory_space<vmem>> -> memref<1x128xi32, #tpu.memory_space<vmem>>
      %dma_wait3A_97 = tpu.memref_squeeze %dma_wait3A_96 : memref<1x128xi32, #tpu.memory_space<vmem>> -> memref<128xi32, #tpu.memory_space<vmem>>
      %dma_wait3A_98 = arith.constant 0 : i32
      %dma_wait3A_99 = arith.constant 0 : i32
      %dma_wait3A_100 = tpu.memref_slice %arg2[%dma_wait3A_98, %dma_wait3A_99] : memref<100000x128xf32, #tpu.memory_space<hbm>> -> memref<100000x128xf32, #tpu.memory_space<hbm>>
      tpu.wait_indirect_dma semaphore(%arg8 : memref<!tpu.dma_semaphore, #tpu.memory_space<semaphore_mem>>) src(%dma_wait3A_100 : memref<100000x128xf32, #tpu.memory_space<hbm>>) dst(%dma_wait3A_94 : memref<128x128xf32, #tpu.memory_space<vmem>>)
      %add3A_101 = arith.addi %mul3A_2, %add3A_89 : i32
      %mul3A_102 = arith.constant 128 : i32
      %mul3A_103 = arith.muli %add3A_101, %mul3A_102 : i32
      %dma_start3A_104 = arith.constant 1 : i32
      %dma_start3A_105 = arith.constant 0 : i32
      %dma_start3A_106 = arith.constant 0 : i32
      %dma_start3A_107 = tpu.memref_slice %arg6[%dma_start3A_104, %dma_start3A_105, %dma_start3A_106] : memref<4x128x128xf32, #tpu.memory_space<vmem>> -> memref<1x128x128xf32, #tpu.memory_space<vmem>>
      %dma_start3A_108 = tpu.memref_squeeze %dma_start3A_107 : memref<1x128x128xf32, #tpu.memory_space<vmem>> -> memref<128x128xf32, #tpu.memory_space<vmem>>
      %dma_start3A_109 = arith.constant 0 : i32
      %dma_start3A_110 = tpu.memref_slice %arg4[%mul3A_103, %dma_start3A_109] : memref<819200x128xf32, #tpu.memory_space<hbm>> -> memref<128x128xf32, #tpu.memory_space<hbm>>
      %dma_start3A_111 = arith.constant 0 : i32
      %dma_start3A_112 = tpu.memref_slice %arg4[%mul3A_103, %dma_start3A_111] : memref<819200x128xf32, #tpu.memory_space<hbm>> -> memref<128x128xf32, #tpu.memory_space<hbm>>
      %dma_start3A_113 = arith.constant 0 : i32
      %dma_start3A_114 = arith.constant 0 : i32
      %dma_start3A_115 = tpu.memref_slice %arg6[%dma_start3A_104, %dma_start3A_113, %dma_start3A_114] : memref<4x128x128xf32, #tpu.memory_space<vmem>> -> memref<1x128x128xf32, #tpu.memory_space<vmem>>
      %dma_start3A_116 = tpu.memref_squeeze %dma_start3A_115 : memref<1x128x128xf32, #tpu.memory_space<vmem>> -> memref<128x128xf32, #tpu.memory_space<vmem>>
      tpu.enqueue_dma source(%dma_start3A_116 : memref<128x128xf32, #tpu.memory_space<vmem>>) target(%dma_start3A_112 : memref<128x128xf32, #tpu.memory_space<hbm>>) target_semaphore(%arg12 : memref<!tpu.dma_semaphore, #tpu.memory_space<semaphore_mem>>)
      %mul3A_117 = arith.constant 4 : i32
      %mul3A_118 = arith.muli %scan3A_55, %mul3A_117 : i32
      %add3A_119 = arith.constant 2 : i32
      %add3A_120 = arith.addi %mul3A_118, %add3A_119 : i32
      %dma_wait3A_121 = arith.constant 2 : i32
      %dma_wait3A_122 = arith.constant 0 : i32
      %dma_wait3A_123 = arith.constant 0 : i32
      %dma_wait3A_124 = tpu.memref_slice %arg6[%dma_wait3A_121, %dma_wait3A_122, %dma_wait3A_123] : memref<4x128x128xf32, #tpu.memory_space<vmem>> -> memref<1x128x128xf32, #tpu.memory_space<vmem>>
      %dma_wait3A_125 = tpu.memref_squeeze %dma_wait3A_124 : memref<1x128x128xf32, #tpu.memory_space<vmem>> -> memref<128x128xf32, #tpu.memory_space<vmem>>
      %dma_wait3A_126 = arith.constant 0 : i32
      %dma_wait3A_127 = tpu.memref_slice %arg5[%add3A_120, %dma_wait3A_126] : memref<200x128xi32, #tpu.memory_space<vmem>> -> memref<1x128xi32, #tpu.memory_space<vmem>>
      %dma_wait3A_128 = tpu.memref_squeeze %dma_wait3A_127 : memref<1x128xi32, #tpu.memory_space<vmem>> -> memref<128xi32, #tpu.memory_space<vmem>>
      %dma_wait3A_129 = arith.constant 0 : i32
      %dma_wait3A_130 = arith.constant 0 : i32
      %dma_wait3A_131 = tpu.memref_slice %arg2[%dma_wait3A_129, %dma_wait3A_130] : memref<100000x128xf32, #tpu.memory_space<hbm>> -> memref<100000x128xf32, #tpu.memory_space<hbm>>
      tpu.wait_indirect_dma semaphore(%arg9 : memref<!tpu.dma_semaphore, #tpu.memory_space<semaphore_mem>>) src(%dma_wait3A_131 : memref<100000x128xf32, #tpu.memory_space<hbm>>) dst(%dma_wait3A_125 : memref<128x128xf32, #tpu.memory_space<vmem>>)
      %add3A_132 = arith.addi %mul3A_2, %add3A_120 : i32
      %mul3A_133 = arith.constant 128 : i32
      %mul3A_134 = arith.muli %add3A_132, %mul3A_133 : i32
      %dma_start3A_135 = arith.constant 2 : i32
      %dma_start3A_136 = arith.constant 0 : i32
      %dma_start3A_137 = arith.constant 0 : i32
      %dma_start3A_138 = tpu.memref_slice %arg6[%dma_start3A_135, %dma_start3A_136, %dma_start3A_137] : memref<4x128x128xf32, #tpu.memory_space<vmem>> -> memref<1x128x128xf32, #tpu.memory_space<vmem>>
      %dma_start3A_139 = tpu.memref_squeeze %dma_start3A_138 : memref<1x128x128xf32, #tpu.memory_space<vmem>> -> memref<128x128xf32, #tpu.memory_space<vmem>>
      %dma_start3A_140 = arith.constant 0 : i32
      %dma_start3A_141 = tpu.memref_slice %arg4[%mul3A_134, %dma_start3A_140] : memref<819200x128xf32, #tpu.memory_space<hbm>> -> memref<128x128xf32, #tpu.memory_space<hbm>>
      %dma_start3A_142 = arith.constant 0 : i32
      %dma_start3A_143 = tpu.memref_slice %arg4[%mul3A_134, %dma_start3A_142] : memref<819200x128xf32, #tpu.memory_space<hbm>> -> memref<128x128xf32, #tpu.memory_space<hbm>>
      %dma_start3A_144 = arith.constant 0 : i32
      %dma_start3A_145 = arith.constant 0 : i32
      %dma_start3A_146 = tpu.memref_slice %arg6[%dma_start3A_135, %dma_start3A_144, %dma_start3A_145] : memref<4x128x128xf32, #tpu.memory_space<vmem>> -> memref<1x128x128xf32, #tpu.memory_space<vmem>>
      %dma_start3A_147 = tpu.memref_squeeze %dma_start3A_146 : memref<1x128x128xf32, #tpu.memory_space<vmem>> -> memref<128x128xf32, #tpu.memory_space<vmem>>
      tpu.enqueue_dma source(%dma_start3A_147 : memref<128x128xf32, #tpu.memory_space<vmem>>) target(%dma_start3A_143 : memref<128x128xf32, #tpu.memory_space<hbm>>) target_semaphore(%arg13 : memref<!tpu.dma_semaphore, #tpu.memory_space<semaphore_mem>>)
      %mul3A_148 = arith.constant 4 : i32
      %mul3A_149 = arith.muli %scan3A_55, %mul3A_148 : i32
      %add3A_150 = arith.constant 3 : i32
      %add3A_151 = arith.addi %mul3A_149, %add3A_150 : i32
      %dma_wait3A_152 = arith.constant 3 : i32
      %dma_wait3A_153 = arith.constant 0 : i32
      %dma_wait3A_154 = arith.constant 0 : i32
      %dma_wait3A_155 = tpu.memref_slice %arg6[%dma_wait3A_152, %dma_wait3A_153, %dma_wait3A_154] : memref<4x128x128xf32, #tpu.memory_space<vmem>> -> memref<1x128x128xf32, #tpu.memory_space<vmem>>
      %dma_wait3A_156 = tpu.memref_squeeze %dma_wait3A_155 : memref<1x128x128xf32, #tpu.memory_space<vmem>> -> memref<128x128xf32, #tpu.memory_space<vmem>>
      %dma_wait3A_157 = arith.constant 0 : i32
      %dma_wait3A_158 = tpu.memref_slice %arg5[%add3A_151, %dma_wait3A_157] : memref<200x128xi32, #tpu.memory_space<vmem>> -> memref<1x128xi32, #tpu.memory_space<vmem>>
      %dma_wait3A_159 = tpu.memref_squeeze %dma_wait3A_158 : memref<1x128xi32, #tpu.memory_space<vmem>> -> memref<128xi32, #tpu.memory_space<vmem>>
      %dma_wait3A_160 = arith.constant 0 : i32
      %dma_wait3A_161 = arith.constant 0 : i32
      %dma_wait3A_162 = tpu.memref_slice %arg2[%dma_wait3A_160, %dma_wait3A_161] : memref<100000x128xf32, #tpu.memory_space<hbm>> -> memref<100000x128xf32, #tpu.memory_space<hbm>>
      tpu.wait_indirect_dma semaphore(%arg10 : memref<!tpu.dma_semaphore, #tpu.memory_space<semaphore_mem>>) src(%dma_wait3A_162 : memref<100000x128xf32, #tpu.memory_space<hbm>>) dst(%dma_wait3A_156 : memref<128x128xf32, #tpu.memory_space<vmem>>)
      %add3A_163 = arith.addi %mul3A_2, %add3A_151 : i32
      %mul3A_164 = arith.constant 128 : i32
      %mul3A_165 = arith.muli %add3A_163, %mul3A_164 : i32
      %dma_start3A_166 = arith.constant 3 : i32
      %dma_start3A_167 = arith.constant 0 : i32
      %dma_start3A_168 = arith.constant 0 : i32
      %dma_start3A_169 = tpu.memref_slice %arg6[%dma_start3A_166, %dma_start3A_167, %dma_start3A_168] : memref<4x128x128xf32, #tpu.memory_space<vmem>> -> memref<1x128x128xf32, #tpu.memory_space<vmem>>
      %dma_start3A_170 = tpu.memref_squeeze %dma_start3A_169 : memref<1x128x128xf32, #tpu.memory_space<vmem>> -> memref<128x128xf32, #tpu.memory_space<vmem>>
      %dma_start3A_171 = arith.constant 0 : i32
      %dma_start3A_172 = tpu.memref_slice %arg4[%mul3A_165, %dma_start3A_171] : memref<819200x128xf32, #tpu.memory_space<hbm>> -> memref<128x128xf32, #tpu.memory_space<hbm>>
      %dma_start3A_173 = arith.constant 0 : i32
      %dma_start3A_174 = tpu.memref_slice %arg4[%mul3A_165, %dma_start3A_173] : memref<819200x128xf32, #tpu.memory_space<hbm>> -> memref<128x128xf32, #tpu.memory_space<hbm>>
      %dma_start3A_175 = arith.constant 0 : i32
      %dma_start3A_176 = arith.constant 0 : i32
      %dma_start3A_177 = tpu.memref_slice %arg6[%dma_start3A_166, %dma_start3A_175, %dma_start3A_176] : memref<4x128x128xf32, #tpu.memory_space<vmem>> -> memref<1x128x128xf32, #tpu.memory_space<vmem>>
      %dma_start3A_178 = tpu.memref_squeeze %dma_start3A_177 : memref<1x128x128xf32, #tpu.memory_space<vmem>> -> memref<128x128xf32, #tpu.memory_space<vmem>>
      tpu.enqueue_dma source(%dma_start3A_178 : memref<128x128xf32, #tpu.memory_space<vmem>>) target(%dma_start3A_174 : memref<128x128xf32, #tpu.memory_space<hbm>>) target_semaphore(%arg14 : memref<!tpu.dma_semaphore, #tpu.memory_space<semaphore_mem>>)
      %mul3A_179 = arith.constant 4 : i32
      %mul3A_180 = arith.muli %scan3A_55, %mul3A_179 : i32
      %add3A_181 = arith.constant 0 : i32
      %add3A_182 = arith.addi %mul3A_180, %add3A_181 : i32
      %add3A_183 = arith.addi %mul3A_2, %add3A_182 : i32
      %mul3A_184 = arith.constant 128 : i32
      %mul3A_185 = arith.muli %add3A_183, %mul3A_184 : i32
      %dma_wait3A_186 = arith.constant 0 : i32
      %dma_wait3A_187 = arith.constant 0 : i32
      %dma_wait3A_188 = arith.constant 0 : i32
      %dma_wait3A_189 = tpu.memref_slice %arg6[%dma_wait3A_186, %dma_wait3A_187, %dma_wait3A_188] : memref<4x128x128xf32, #tpu.memory_space<vmem>> -> memref<1x128x128xf32, #tpu.memory_space<vmem>>
      %dma_wait3A_190 = tpu.memref_squeeze %dma_wait3A_189 : memref<1x128x128xf32, #tpu.memory_space<vmem>> -> memref<128x128xf32, #tpu.memory_space<vmem>>
      %dma_wait3A_191 = arith.constant 0 : i32
      %dma_wait3A_192 = tpu.memref_slice %arg4[%mul3A_185, %dma_wait3A_191] : memref<819200x128xf32, #tpu.memory_space<hbm>> -> memref<128x128xf32, #tpu.memory_space<hbm>>
      %dma_wait3A_193 = arith.constant 0 : i32
      %dma_wait3A_194 = tpu.memref_slice %arg4[%mul3A_185, %dma_wait3A_193] : memref<819200x128xf32, #tpu.memory_space<hbm>> -> memref<128x128xf32, #tpu.memory_space<hbm>>
      %dma_wait3A_195 = arith.constant 0 : i32
      %dma_wait3A_196 = arith.constant 0 : i32
      %dma_wait3A_197 = tpu.memref_slice %arg6[%dma_wait3A_186, %dma_wait3A_195, %dma_wait3A_196] : memref<4x128x128xf32, #tpu.memory_space<vmem>> -> memref<1x128x128xf32, #tpu.memory_space<vmem>>
      %dma_wait3A_198 = tpu.memref_squeeze %dma_wait3A_197 : memref<1x128x128xf32, #tpu.memory_space<vmem>> -> memref<128x128xf32, #tpu.memory_space<vmem>>
      tpu.wait_dma2 semaphore(%arg11 : memref<!tpu.dma_semaphore, #tpu.memory_space<semaphore_mem>>) src(%dma_wait3A_198 : memref<128x128xf32, #tpu.memory_space<vmem>>) dst(%dma_wait3A_194 : memref<128x128xf32, #tpu.memory_space<hbm>>)
      %add3A_199 = arith.constant 1 : i32
      %add3A_200 = arith.addi %scan3A_55, %add3A_199 : i32
      %lt3A = arith.constant 50 : i32
      %lt3A_201 = arith.cmpi slt, %add3A_200, %lt3A : i32
      %convert_element_type3A = arith.extui %lt3A_201 : i1 to i32
      %cond3A = arith.constant 0 : i32
      %cond3A_202 = arith.cmpi ne, %convert_element_type3A, %cond3A : i32
      scf.if %cond3A_202 {
        %add3A_284 = arith.constant 1 : i32
        %add3A_285 = arith.addi %scan3A_55, %add3A_284 : i32
        %mul3A_286 = arith.constant 4 : i32
        %mul3A_287 = arith.muli %add3A_285, %mul3A_286 : i32
        %add3A_288 = arith.constant 0 : i32
        %add3A_289 = arith.addi %mul3A_287, %add3A_288 : i32
        %dma_start3A_290 = arith.constant 0 : i32
        %dma_start3A_291 = arith.constant 0 : i32
        %dma_start3A_292 = arith.constant 0 : i32
        %dma_start3A_293 = tpu.memref_slice %arg6[%dma_start3A_290, %dma_start3A_291, %dma_start3A_292] : memref<4x128x128xf32, #tpu.memory_space<vmem>> -> memref<1x128x128xf32, #tpu.memory_space<vmem>>
        %dma_start3A_294 = tpu.memref_squeeze %dma_start3A_293 : memref<1x128x128xf32, #tpu.memory_space<vmem>> -> memref<128x128xf32, #tpu.memory_space<vmem>>
        %dma_start3A_295 = arith.constant 0 : i32
        %dma_start3A_296 = tpu.memref_slice %arg5[%add3A_289, %dma_start3A_295] : memref<200x128xi32, #tpu.memory_space<vmem>> -> memref<1x128xi32, #tpu.memory_space<vmem>>
        %dma_start3A_297 = tpu.memref_squeeze %dma_start3A_296 : memref<1x128xi32, #tpu.memory_space<vmem>> -> memref<128xi32, #tpu.memory_space<vmem>>
        %dma_start3A_298 = arith.constant 0 : i32
        %dma_start3A_299 = arith.constant 0 : i32
        %dma_start3A_300 = tpu.memref_slice %arg2[%dma_start3A_298, %dma_start3A_299] : memref<100000x128xf32, #tpu.memory_space<hbm>> -> memref<100000x128xf32, #tpu.memory_space<hbm>>
        tpu.enqueue_indirect_dma source(%dma_start3A_300 : memref<100000x128xf32, #tpu.memory_space<hbm>>) target(%dma_start3A_294 : memref<128x128xf32, #tpu.memory_space<vmem>>) offsets(%dma_start3A_297 : memref<128xi32, #tpu.memory_space<vmem>>) semaphore(%arg7 : memref<!tpu.dma_semaphore, #tpu.memory_space<semaphore_mem>>)
      } else {
      }
      %mul3A_203 = arith.constant 4 : i32
      %mul3A_204 = arith.muli %scan3A_55, %mul3A_203 : i32
      %add3A_205 = arith.constant 1 : i32
      %add3A_206 = arith.addi %mul3A_204, %add3A_205 : i32
      %add3A_207 = arith.addi %mul3A_2, %add3A_206 : i32
      %mul3A_208 = arith.constant 128 : i32
      %mul3A_209 = arith.muli %add3A_207, %mul3A_208 : i32
      %dma_wait3A_210 = arith.constant 1 : i32
      %dma_wait3A_211 = arith.constant 0 : i32
      %dma_wait3A_212 = arith.constant 0 : i32
      %dma_wait3A_213 = tpu.memref_slice %arg6[%dma_wait3A_210, %dma_wait3A_211, %dma_wait3A_212] : memref<4x128x128xf32, #tpu.memory_space<vmem>> -> memref<1x128x128xf32, #tpu.memory_space<vmem>>
      %dma_wait3A_214 = tpu.memref_squeeze %dma_wait3A_213 : memref<1x128x128xf32, #tpu.memory_space<vmem>> -> memref<128x128xf32, #tpu.memory_space<vmem>>
      %dma_wait3A_215 = arith.constant 0 : i32
      %dma_wait3A_216 = tpu.memref_slice %arg4[%mul3A_209, %dma_wait3A_215] : memref<819200x128xf32, #tpu.memory_space<hbm>> -> memref<128x128xf32, #tpu.memory_space<hbm>>
      %dma_wait3A_217 = arith.constant 0 : i32
      %dma_wait3A_218 = tpu.memref_slice %arg4[%mul3A_209, %dma_wait3A_217] : memref<819200x128xf32, #tpu.memory_space<hbm>> -> memref<128x128xf32, #tpu.memory_space<hbm>>
      %dma_wait3A_219 = arith.constant 0 : i32
      %dma_wait3A_220 = arith.constant 0 : i32
      %dma_wait3A_221 = tpu.memref_slice %arg6[%dma_wait3A_210, %dma_wait3A_219, %dma_wait3A_220] : memref<4x128x128xf32, #tpu.memory_space<vmem>> -> memref<1x128x128xf32, #tpu.memory_space<vmem>>
      %dma_wait3A_222 = tpu.memref_squeeze %dma_wait3A_221 : memref<1x128x128xf32, #tpu.memory_space<vmem>> -> memref<128x128xf32, #tpu.memory_space<vmem>>
      tpu.wait_dma2 semaphore(%arg12 : memref<!tpu.dma_semaphore, #tpu.memory_space<semaphore_mem>>) src(%dma_wait3A_222 : memref<128x128xf32, #tpu.memory_space<vmem>>) dst(%dma_wait3A_218 : memref<128x128xf32, #tpu.memory_space<hbm>>)
      %add3A_223 = arith.constant 1 : i32
      %add3A_224 = arith.addi %scan3A_55, %add3A_223 : i32
      %lt3A_225 = arith.constant 50 : i32
      %lt3A_226 = arith.cmpi slt, %add3A_224, %lt3A_225 : i32
      %convert_element_type3A_227 = arith.extui %lt3A_226 : i1 to i32
      %cond3A_228 = arith.constant 0 : i32
      %cond3A_229 = arith.cmpi ne, %convert_element_type3A_227, %cond3A_228 : i32
      scf.if %cond3A_229 {
        %add3A_284 = arith.constant 1 : i32
        %add3A_285 = arith.addi %scan3A_55, %add3A_284 : i32
        %mul3A_286 = arith.constant 4 : i32
        %mul3A_287 = arith.muli %add3A_285, %mul3A_286 : i32
        %add3A_288 = arith.constant 1 : i32
        %add3A_289 = arith.addi %mul3A_287, %add3A_288 : i32
        %dma_start3A_290 = arith.constant 1 : i32
        %dma_start3A_291 = arith.constant 0 : i32
        %dma_start3A_292 = arith.constant 0 : i32
        %dma_start3A_293 = tpu.memref_slice %arg6[%dma_start3A_290, %dma_start3A_291, %dma_start3A_292] : memref<4x128x128xf32, #tpu.memory_space<vmem>> -> memref<1x128x128xf32, #tpu.memory_space<vmem>>
        %dma_start3A_294 = tpu.memref_squeeze %dma_start3A_293 : memref<1x128x128xf32, #tpu.memory_space<vmem>> -> memref<128x128xf32, #tpu.memory_space<vmem>>
        %dma_start3A_295 = arith.constant 0 : i32
        %dma_start3A_296 = tpu.memref_slice %arg5[%add3A_289, %dma_start3A_295] : memref<200x128xi32, #tpu.memory_space<vmem>> -> memref<1x128xi32, #tpu.memory_space<vmem>>
        %dma_start3A_297 = tpu.memref_squeeze %dma_start3A_296 : memref<1x128xi32, #tpu.memory_space<vmem>> -> memref<128xi32, #tpu.memory_space<vmem>>
        %dma_start3A_298 = arith.constant 0 : i32
        %dma_start3A_299 = arith.constant 0 : i32
        %dma_start3A_300 = tpu.memref_slice %arg2[%dma_start3A_298, %dma_start3A_299] : memref<100000x128xf32, #tpu.memory_space<hbm>> -> memref<100000x128xf32, #tpu.memory_space<hbm>>
        tpu.enqueue_indirect_dma source(%dma_start3A_300 : memref<100000x128xf32, #tpu.memory_space<hbm>>) target(%dma_start3A_294 : memref<128x128xf32, #tpu.memory_space<vmem>>) offsets(%dma_start3A_297 : memref<128xi32, #tpu.memory_space<vmem>>) semaphore(%arg8 : memref<!tpu.dma_semaphore, #tpu.memory_space<semaphore_mem>>)
      } else {
      }
      %mul3A_230 = arith.constant 4 : i32
      %mul3A_231 = arith.muli %scan3A_55, %mul3A_230 : i32
      %add3A_232 = arith.constant 2 : i32
      %add3A_233 = arith.addi %mul3A_231, %add3A_232 : i32
      %add3A_234 = arith.addi %mul3A_2, %add3A_233 : i32
      %mul3A_235 = arith.constant 128 : i32
      %mul3A_236 = arith.muli %add3A_234, %mul3A_235 : i32
      %dma_wait3A_237 = arith.constant 2 : i32
      %dma_wait3A_238 = arith.constant 0 : i32
      %dma_wait3A_239 = arith.constant 0 : i32
      %dma_wait3A_240 = tpu.memref_slice %arg6[%dma_wait3A_237, %dma_wait3A_238, %dma_wait3A_239] : memref<4x128x128xf32, #tpu.memory_space<vmem>> -> memref<1x128x128xf32, #tpu.memory_space<vmem>>
      %dma_wait3A_241 = tpu.memref_squeeze %dma_wait3A_240 : memref<1x128x128xf32, #tpu.memory_space<vmem>> -> memref<128x128xf32, #tpu.memory_space<vmem>>
      %dma_wait3A_242 = arith.constant 0 : i32
      %dma_wait3A_243 = tpu.memref_slice %arg4[%mul3A_236, %dma_wait3A_242] : memref<819200x128xf32, #tpu.memory_space<hbm>> -> memref<128x128xf32, #tpu.memory_space<hbm>>
      %dma_wait3A_244 = arith.constant 0 : i32
      %dma_wait3A_245 = tpu.memref_slice %arg4[%mul3A_236, %dma_wait3A_244] : memref<819200x128xf32, #tpu.memory_space<hbm>> -> memref<128x128xf32, #tpu.memory_space<hbm>>
      %dma_wait3A_246 = arith.constant 0 : i32
      %dma_wait3A_247 = arith.constant 0 : i32
      %dma_wait3A_248 = tpu.memref_slice %arg6[%dma_wait3A_237, %dma_wait3A_246, %dma_wait3A_247] : memref<4x128x128xf32, #tpu.memory_space<vmem>> -> memref<1x128x128xf32, #tpu.memory_space<vmem>>
      %dma_wait3A_249 = tpu.memref_squeeze %dma_wait3A_248 : memref<1x128x128xf32, #tpu.memory_space<vmem>> -> memref<128x128xf32, #tpu.memory_space<vmem>>
      tpu.wait_dma2 semaphore(%arg13 : memref<!tpu.dma_semaphore, #tpu.memory_space<semaphore_mem>>) src(%dma_wait3A_249 : memref<128x128xf32, #tpu.memory_space<vmem>>) dst(%dma_wait3A_245 : memref<128x128xf32, #tpu.memory_space<hbm>>)
      %add3A_250 = arith.constant 1 : i32
      %add3A_251 = arith.addi %scan3A_55, %add3A_250 : i32
      %lt3A_252 = arith.constant 50 : i32
      %lt3A_253 = arith.cmpi slt, %add3A_251, %lt3A_252 : i32
      %convert_element_type3A_254 = arith.extui %lt3A_253 : i1 to i32
      %cond3A_255 = arith.constant 0 : i32
      %cond3A_256 = arith.cmpi ne, %convert_element_type3A_254, %cond3A_255 : i32
      scf.if %cond3A_256 {
        %add3A_284 = arith.constant 1 : i32
        %add3A_285 = arith.addi %scan3A_55, %add3A_284 : i32
        %mul3A_286 = arith.constant 4 : i32
        %mul3A_287 = arith.muli %add3A_285, %mul3A_286 : i32
        %add3A_288 = arith.constant 2 : i32
        %add3A_289 = arith.addi %mul3A_287, %add3A_288 : i32
        %dma_start3A_290 = arith.constant 2 : i32
        %dma_start3A_291 = arith.constant 0 : i32
        %dma_start3A_292 = arith.constant 0 : i32
        %dma_start3A_293 = tpu.memref_slice %arg6[%dma_start3A_290, %dma_start3A_291, %dma_start3A_292] : memref<4x128x128xf32, #tpu.memory_space<vmem>> -> memref<1x128x128xf32, #tpu.memory_space<vmem>>
        %dma_start3A_294 = tpu.memref_squeeze %dma_start3A_293 : memref<1x128x128xf32, #tpu.memory_space<vmem>> -> memref<128x128xf32, #tpu.memory_space<vmem>>
        %dma_start3A_295 = arith.constant 0 : i32
        %dma_start3A_296 = tpu.memref_slice %arg5[%add3A_289, %dma_start3A_295] : memref<200x128xi32, #tpu.memory_space<vmem>> -> memref<1x128xi32, #tpu.memory_space<vmem>>
        %dma_start3A_297 = tpu.memref_squeeze %dma_start3A_296 : memref<1x128xi32, #tpu.memory_space<vmem>> -> memref<128xi32, #tpu.memory_space<vmem>>
        %dma_start3A_298 = arith.constant 0 : i32
        %dma_start3A_299 = arith.constant 0 : i32
        %dma_start3A_300 = tpu.memref_slice %arg2[%dma_start3A_298, %dma_start3A_299] : memref<100000x128xf32, #tpu.memory_space<hbm>> -> memref<100000x128xf32, #tpu.memory_space<hbm>>
        tpu.enqueue_indirect_dma source(%dma_start3A_300 : memref<100000x128xf32, #tpu.memory_space<hbm>>) target(%dma_start3A_294 : memref<128x128xf32, #tpu.memory_space<vmem>>) offsets(%dma_start3A_297 : memref<128xi32, #tpu.memory_space<vmem>>) semaphore(%arg9 : memref<!tpu.dma_semaphore, #tpu.memory_space<semaphore_mem>>)
      } else {
      }
      %mul3A_257 = arith.constant 4 : i32
      %mul3A_258 = arith.muli %scan3A_55, %mul3A_257 : i32
      %add3A_259 = arith.constant 3 : i32
      %add3A_260 = arith.addi %mul3A_258, %add3A_259 : i32
      %add3A_261 = arith.addi %mul3A_2, %add3A_260 : i32
      %mul3A_262 = arith.constant 128 : i32
      %mul3A_263 = arith.muli %add3A_261, %mul3A_262 : i32
      %dma_wait3A_264 = arith.constant 3 : i32
      %dma_wait3A_265 = arith.constant 0 : i32
      %dma_wait3A_266 = arith.constant 0 : i32
      %dma_wait3A_267 = tpu.memref_slice %arg6[%dma_wait3A_264, %dma_wait3A_265, %dma_wait3A_266] : memref<4x128x128xf32, #tpu.memory_space<vmem>> -> memref<1x128x128xf32, #tpu.memory_space<vmem>>
      %dma_wait3A_268 = tpu.memref_squeeze %dma_wait3A_267 : memref<1x128x128xf32, #tpu.memory_space<vmem>> -> memref<128x128xf32, #tpu.memory_space<vmem>>
      %dma_wait3A_269 = arith.constant 0 : i32
      %dma_wait3A_270 = tpu.memref_slice %arg4[%mul3A_263, %dma_wait3A_269] : memref<819200x128xf32, #tpu.memory_space<hbm>> -> memref<128x128xf32, #tpu.memory_space<hbm>>
      %dma_wait3A_271 = arith.constant 0 : i32
      %dma_wait3A_272 = tpu.memref_slice %arg4[%mul3A_263, %dma_wait3A_271] : memref<819200x128xf32, #tpu.memory_space<hbm>> -> memref<128x128xf32, #tpu.memory_space<hbm>>
      %dma_wait3A_273 = arith.constant 0 : i32
      %dma_wait3A_274 = arith.constant 0 : i32
      %dma_wait3A_275 = tpu.memref_slice %arg6[%dma_wait3A_264, %dma_wait3A_273, %dma_wait3A_274] : memref<4x128x128xf32, #tpu.memory_space<vmem>> -> memref<1x128x128xf32, #tpu.memory_space<vmem>>
      %dma_wait3A_276 = tpu.memref_squeeze %dma_wait3A_275 : memref<1x128x128xf32, #tpu.memory_space<vmem>> -> memref<128x128xf32, #tpu.memory_space<vmem>>
      tpu.wait_dma2 semaphore(%arg14 : memref<!tpu.dma_semaphore, #tpu.memory_space<semaphore_mem>>) src(%dma_wait3A_276 : memref<128x128xf32, #tpu.memory_space<vmem>>) dst(%dma_wait3A_272 : memref<128x128xf32, #tpu.memory_space<hbm>>)
      %add3A_277 = arith.constant 1 : i32
      %add3A_278 = arith.addi %scan3A_55, %add3A_277 : i32
      %lt3A_279 = arith.constant 50 : i32
      %lt3A_280 = arith.cmpi slt, %add3A_278, %lt3A_279 : i32
      %convert_element_type3A_281 = arith.extui %lt3A_280 : i1 to i32
      %cond3A_282 = arith.constant 0 : i32
      %cond3A_283 = arith.cmpi ne, %convert_element_type3A_281, %cond3A_282 : i32
      scf.if %cond3A_283 {
        %add3A_284 = arith.constant 1 : i32
        %add3A_285 = arith.addi %scan3A_55, %add3A_284 : i32
        %mul3A_286 = arith.constant 4 : i32
        %mul3A_287 = arith.muli %add3A_285, %mul3A_286 : i32
        %add3A_288 = arith.constant 3 : i32
        %add3A_289 = arith.addi %mul3A_287, %add3A_288 : i32
        %dma_start3A_290 = arith.constant 3 : i32
        %dma_start3A_291 = arith.constant 0 : i32
        %dma_start3A_292 = arith.constant 0 : i32
        %dma_start3A_293 = tpu.memref_slice %arg6[%dma_start3A_290, %dma_start3A_291, %dma_start3A_292] : memref<4x128x128xf32, #tpu.memory_space<vmem>> -> memref<1x128x128xf32, #tpu.memory_space<vmem>>
        %dma_start3A_294 = tpu.memref_squeeze %dma_start3A_293 : memref<1x128x128xf32, #tpu.memory_space<vmem>> -> memref<128x128xf32, #tpu.memory_space<vmem>>
        %dma_start3A_295 = arith.constant 0 : i32
        %dma_start3A_296 = tpu.memref_slice %arg5[%add3A_289, %dma_start3A_295] : memref<200x128xi32, #tpu.memory_space<vmem>> -> memref<1x128xi32, #tpu.memory_space<vmem>>
        %dma_start3A_297 = tpu.memref_squeeze %dma_start3A_296 : memref<1x128xi32, #tpu.memory_space<vmem>> -> memref<128xi32, #tpu.memory_space<vmem>>
        %dma_start3A_298 = arith.constant 0 : i32
        %dma_start3A_299 = arith.constant 0 : i32
        %dma_start3A_300 = tpu.memref_slice %arg2[%dma_start3A_298, %dma_start3A_299] : memref<100000x128xf32, #tpu.memory_space<hbm>> -> memref<100000x128xf32, #tpu.memory_space<hbm>>
        tpu.enqueue_indirect_dma source(%dma_start3A_300 : memref<100000x128xf32, #tpu.memory_space<hbm>>) target(%dma_start3A_294 : memref<128x128xf32, #tpu.memory_space<vmem>>) offsets(%dma_start3A_297 : memref<128xi32, #tpu.memory_space<vmem>>) semaphore(%arg10 : memref<!tpu.dma_semaphore, #tpu.memory_space<semaphore_mem>>)
      } else {
      }
    }
    %scan3A_54 = arith.constant 50 : i32
    return
  }
}

</mosaic_0001>

<sc_bundles>
// kernel: _gather.3.cloned.1.call-start
scs
__scs_entry_jumppad:
0x0: {  	(pc) =	sbr.rel $0x88, $3  }
0x1: {  	(tag) =	ssettag $0x0;
	lr =	simm.s32 $0x1  }
0x2: {  	[smem:$0x3F9F] =	sst lr;
	_ =	strace $0xD0000000  }
0x3: {  	_ = 	snop  }
0x4: {  	_ = 	snop  }
0x5: {  	_ = 	snop  }
0x6: {  	_ = 	snop  }
0x7: {  	_ = 	snop  }
__scs_overlays_trampoline_lowered:
0x8: {  	[smem:$0x3FAE] =	sst s0  }
0x9: {  	[smem:$0x3FAF] =	sst s1  }
0xa: {  	[smem:$0x3FB0] =	sst s2  }
0xb: {  	[smem:$0x3FB1] =	sst s3  }
0xc: {  	[smem:$0x3FB2] =	sst s4  }
0xd: {  	[smem:$0x3FB3] =	sst s5  }
0xe: {  	[smem:$0x3FB4] =	sst s6  }
0xf: {  	[smem:$0x3FB5] =	sst s7  }
0x10: {  	[smem:$0x3FB6] =	sst s8  }
0x11: {  	[smem:$0x3FB7] =	sst s9;
	s0 =	simm.s32 @!p0 $0x0  }
0x12: {  	s1 =	sld [smem:$0x3F9D];
	s0 =	simm.s32 @p0 $0x1  }
0x13: {  	[smem:$0x3FB8] =	sst s0;
	s0 =	simm.s32 @!p1 $0x0  }
0x14: {  	s2 =	sld [smem:$0x3F9C];
	s0 =	simm.s32 @p1 $0x1  }
0x15: {  	[smem:$0x3FB9] =	sst s0;
	s0 =	simm.s32 @!p2 $0x0  }
0x16: {  	s3 =	sld [smem:$0x3FDB];
	s0 =	simm.s32 @p2 $0x1  }
0x17: {  	s4 =	simm.s32 $0x1BF5;
	[smem:$0x3FBB] =	sst s0  }
0x18: {  	s0 =	sld [smem:$0x3F9E];
	_ =	swait.ge [sflag:s4], $0x0  }
0x19: {  	s7 =	sld [smem:$0x3F9F]  }
0x1a: {  	s8 =	sadd.s32 $0xFFFFE003, lr  }
0x1b: {  	s9 =	sadd.s32 $0xFFFFFEF7, lr;
	s5 =	simm.s32 $0xFFFFFFFF;
	p2 =	slt.u32 s8, $0xFFFFF086  }
0x1c: {  	p1 =	slt.u32 s9, $0xF7A;
	s5 =	simm.s32 @!p2 $0x0  }
0x1d: {  	s5 =	simm.s32 @p1 $0x1;
	p0 =	seq.s32 s7, s2  }
0x1e: {  	s7 =	smul.u32 @!p0 $0xF7A, s2;
	p2 =	seq.s32 @!p0 s5, $0x0  }
0x1f: {  	s9 =	smul.u32 $0xF7A, s1;
	s8 =	simm.s32 @!p0 $0x1BF5;
	p2 =	por !p2, p0  }
0x20: {  	[sflag:s8] =	ssyncset.s32 @!p0 $0xFFFFF086;
	s6 =	sadd.s32 @!p0 s3, s7;
	s7 =	simm.s32 @!p0 $0x108  }
0x21: {  	s3 =	sadd.s32 s3, s9;
	s6 =	sadd.s32 @!p0 $0x88, s6;
	s7 =	simm.s32 @p2 $0x1082  }
0x22: {  	[simem:s7], [sflag:s8] =	dma.local @!p0 [hbm:s6], $0xF7A  }
0x23: {  	s9 =	sor.u32 $0xD0000000, s2;
	s6 =	simm.s32 $0x108;
	_ =	swait.ge @!p0 [sflag:s8], $0x0  }
0x24: {  	s3 =	sadd.s32 $0x88, s3;
	s6 =	simm.s32 @!p1 $0x1082;
	[sflag:s4] =	ssyncset.s32 $0xFFFFF086  }
0x25: {  	[simem:s6], [sflag:s4] =	dma.local [hbm:s3], $0xF7A  }
0x26: {  	[smem:$0x3F9F] =	sst s1;
	(tag) =	ssettag s2;
	_ =	strace s9  }
0x27: {  	s1 =	sld [smem:$0x3FAF]  }
0x28: {  	s2 =	sld [smem:$0x3FB0]  }
0x29: {  	s4 =	sld [smem:$0x3FB2]  }
0x2a: {  	p0 =	seq.s32 s5, $0x0;
	s5 =	sld [smem:$0x3FB3]  }
0x2b: {  	s6 =	sld [smem:$0x3FB4]  }
0x2c: {  	s7 =	sld [smem:$0x3FB5]  }
0x2d: {  	s3 =	simm.s32 $0x108;
	s8 =	sld [smem:$0x3FB6]  }
0x2e: {  	s3 =	simm.s32 @!p0 $0x1082;
	s9 =	sld [smem:$0x3FB7]  }
0x2f: {  	lr =	sadd.s32 s0, s3;
	s0 =	sld [smem:$0x3FAE]  }
0x30: {  	s3 =	sld [smem:$0x3FB1]  }
0x31: {  	[smem:$0x3FBA] =	sst s10  }
0x32: {  	s10 =	sld [smem:$0x3FB8];
	_ =	sdelay $0x3  }
0x33: {  	p0 =	seq.s32 s10, $0x1;
	s10 =	sld [smem:$0x3FBA];
	_ =	sdelay $0x3  }
0x34: {  	[smem:$0x3FBA] =	sst s10  }
0x35: {  	s10 =	sld [smem:$0x3FB9];
	_ =	sdelay $0x3  }
0x36: {  	p1 =	seq.s32 s10, $0x1;
	s10 =	sld [smem:$0x3FBA];
	_ =	sdelay $0x3  }
0x37: {  	[smem:$0x3FBA] =	sst s10  }
0x38: {  	s10 =	sld [smem:$0x3FBB]  }
0x39: {  	_ = 	snop;
	(pc) =	sbr.ind lr, $3  }
0x3a: {  	_ = 	snop  }
0x3b: {  	_ = 	snop  }
0x3c: {  	p2 =	seq.s32 s10, $0x1;
	s10 =	sld [smem:$0x3FBA]  }
0x3d: {  	_ =	shalt  }
0x3e: {  	_ =	shalt  }
0x3f: {  	_ =	shalt  }
0x40: {  	_ =	shalt  }
0x41: {  	_ =	shalt  }
0x42: {  	_ =	shalt  }
0x43: {  	_ =	shalt  }
0x44: {  	_ =	shalt  }
0x45: {  	_ =	shalt  }
0x46: {  	_ =	shalt  }
0x47: {  	_ =	shalt  }
0x48: {  	_ =	shalt  }
0x49: {  	_ =	shalt  }
0x4a: {  	_ =	shalt  }
0x4b: {  	_ =	shalt  }
0x4c: {  	_ =	shalt  }
0x4d: {  	_ =	shalt  }
0x4e: {  	_ =	shalt  }
0x4f: {  	_ =	shalt  }
0x50: {  	_ =	shalt  }
0x51: {  	_ =	shalt  }
0x52: {  	_ =	shalt  }
0x53: {  	_ =	shalt  }
0x54: {  	_ =	shalt  }
0x55: {  	_ =	shalt  }
0x56: {  	_ =	shalt  }
0x57: {  	_ =	shalt  }
0x58: {  	_ =	shalt  }
0x59: {  	_ =	shalt  }
0x5a: {  	_ =	shalt  }
0x5b: {  	_ =	shalt  }
0x5c: {  	_ =	shalt  }
0x5d: {  	_ =	shalt  }
0x5e: {  	_ =	shalt  }
0x5f: {  	_ =	shalt  }
0x60: {  	_ =	shalt  }
0x61: {  	_ =	shalt  }
0x62: {  	_ =	shalt  }
0x63: {  	_ =	shalt  }
0x64: {  	_ =	shalt  }
0x65: {  	_ =	shalt  }
0x66: {  	_ =	shalt  }
0x67: {  	_ =	shalt  }
0x68: {  	_ =	shalt  }
0x69: {  	_ =	shalt  }
0x6a: {  	_ =	shalt  }
0x6b: {  	_ =	shalt  }
0x6c: {  	_ =	shalt  }
0x6d: {  	_ =	shalt  }
0x6e: {  	_ =	shalt  }
0x6f: {  	_ =	shalt  }
0x70: {  	_ =	shalt  }
0x71: {  	_ =	shalt  }
0x72: {  	_ =	shalt  }
0x73: {  	_ =	shalt  }
0x74: {  	_ =	shalt  }
0x75: {  	_ =	shalt  }
0x76: {  	_ =	shalt  }
0x77: {  	_ =	shalt  }
0x78: {  	_ =	shalt  }
0x79: {  	_ =	shalt  }
0x7a: {  	_ =	shalt  }
0x7b: {  	_ =	shalt  }
0x7c: {  	_ =	shalt  }
0x7d: {  	_ =	shalt  }
0x7e: {  	_ =	shalt  }
0x7f: {  	_ =	shalt  }
0x80: {  	_ =	shalt  }
0x81: {  	_ =	shalt  }
0x82: {  	_ =	shalt  }
0x83: {  	_ =	shalt  }
0x84: {  	_ =	shalt  }
0x85: {  	_ =	shalt  }
0x86: {  	_ =	shalt  }
0x87: {  	_ =	shalt  }
.Lfunc_end0:
.L_simem_size_0:
called_computation_lowered:
.L_overlay_start_0:
0x88: {  	s2 =	sld [smem:$0x3FD9]  }
0x89: {  	s3 =	sld [smem:$0x3FFE];
	_ =	sdelay $0x1  }
0x8a: {  	s1 =	srdreg.scid  }
0x8b: {  	s0 =	sand.u32 $0x1, s1  }
0x8c: {  	s18 =	sshll.u32 s0, $0xA;
	s2 =	sadd.s32 s3, s2  }
0x8d: {  	s2 =	sadd.s32 s2, s18  }
0x8e: {  	[smem:$0x3FC6] =	sst s2  }
0x8f: {  	_ = 	snop  }
0x90: {  	s2 =	sld [smem:$0x3FC9]  }
0x91: {  	s19 =	sld [smem:$0x3FC8]  }
0x92: {  	s4 =	sld [smem:$0x3FD0];
	(tm) =	ssettm $0x1  }
0x93: {  	s5 =	sld [smem:$0x3FFB];
	_ =	sdelay $0x3  }
0x94: {  	_ =	strace s5  }
0x95: {  	s5 =	sld [smem:$0x3FFC];
	_ =	sdelay $0x3  }
0x96: {  	_ =	strace s5  }
0x97: {  	s5 =	sld [smem:$0x3FFD];
	_ =	sdelay $0x3  }
0x98: {  	_ =	strace s5  }
0x99: {  	_ =	strace $0x8FFFFFFF  }
0x9a: {  	s20 =	sld [smem:$0x3FDB];
	_ =	sdelay $0x1  }
0x9b: {  	s6 =	simm.s32 $_scs_section_size  }
0x9c: {  	s7 =	simm.s32 $_size__tile_overlayer_lowered;
	s8 =	simm.s32 $_tile_overlayer_lowered  }
0x9d: {  	s23 =	simm.s32 $0x1BFF;
	s22 =	sshll.u32 s8, $0x1;
	s5 =	sadd.s32 s6, s20  }
0x9e: {  	s9 =	simm.s32 $0x0;
	s21 =	sshll.u32 s7, $0x1;
	s7 =	sadd.s32 s22, s5  }
0x9f: {  	[timem:s9], [sflag:s23] =	dma.local [hbm:s7], s21  }
0xa0: {  	_ =	swait.ge [sflag:s23], s21  }
0xa1: {  	s6 =	ssub.s32 $0x0, s21;
	[sflag:s23] =	ssyncset.done $0x0  }
0xa2: {  	[sflag:s23] =	ssyncadd.s32 s6;
	_ =	sdelay $0x1  }
0xa3: {  	s24 =	simm.s32 $0x1B8B  }
0xa4: {  	_ =	swait.ge [sflag:s24], $0x1  }
0xa5: {  	[sflag:s24] =	ssyncset.done $0x0  }
0xa6: {  	s25 =	simm.s32 $0x1B8E;
	[sflag:s24] =	ssyncadd.s32 $0xFFFFFFFF  }
0xa7: {  	s26 =	simm.s32 $execute0_lowered;
	[smem:$0x3FD2] =	sst s25  }
0xa8: {  	s6 =	sshll.u32 s26, $0x1;
	_ =	strace $0x80000046;
	[dreg:$0x1] =	wrdreg $0xFFFFFFFF  }
0xa9: {  	s28 =	simm.s32 $_size_execute0_lowered;
	s5 =	sadd.s32 s5, s6;
	[dreg:$0x0] =	wrdreg $0x0  }
0xaa: {  	s6 =	sshll.u32 s28, $0x1;
	[dreg:$0x2] =	wrdreg s5  }
0xab: {  	[dreg:$0x3] =	wrdreg s6  }
0xac: {  	[dreg:$0x4] =	wrdreg $0xC0  }
0xad: {  	_ =	task [dreg:s9], $0x5FFFF  }
0xae: {  	[dreg:$0x1] =	wrdreg $0xFFFFFFFF  }
0xaf: {  	[dreg:$0x0] =	wrdreg $0x60  }
0xb0: {  	[dreg:$0x2] =	wrdreg s2  }
0xb1: {  	[dreg:$0x3] =	wrdreg s19  }
0xb2: {  	[dreg:$0x4] =	wrdreg s4  }
0xb3: {  	[dreg:$0x5] =	wrdreg $0x9  }
0xb4: {  	_ =	task.clear_ibuf [dreg:s9], $0x6FFFF;
	_ =	strace $0x90000046  }
0xb5: {  	s29 =	simm.s32 $0x9;
	_ =	strace $0x80000048  }
0xb6: {  	_ =	swait.ge [sflag:s29], $0x1  }
0xb7: {  	[sflag:s29] =	ssyncadd.s32 $0xFFFFFFFF  }
0xb8: {  	_ =	strace $0x90000048  }
0xb9: {  	_ =	sfence  }
0xba: {  	s30 =	sld [smem:$0x0];
	_ =	sdelay $0x2  }
0xbb: {  	s31 =	sshll.u32 s1, $0xD;
	s1 =	sshrl.u32 s1, $0x2  }
0xbc: {  	s3 =	sand.u32 $0x4000, s31;
	s1 =	sadd.s32 s1, s30  }
0xbd: {  	s0 =	sor.u32 s3, s0;
	s1 =	sshll.u32 s1, $0x11  }
0xbe: {  	s0 =	sor.u32 s1, s0  }
0xbf: {  	s0 =	sadd.s32 $0x8F2B, s0  }
0xc0: {  	[sflag:s0] =	ssyncadd.remote.s32 $0x1  }
0xc1: {  	_ =	sfence.sel $0xFFFF  }
0xc2: {  	[dreg:$0x0] =	wrdreg $0xFFFFFFFF;
	(pc) =	sbr.abs _section_cstart, $3  }
0xc3: {  	[dreg:$0x1] =	wrdreg $0xFFFFFFFF  }
0xc4: {  	_ =	task.clear_ibuf [dreg:s9], $0x2FFFF;
	_ =	strace $0x9FFFFFFF  }
0xc5: {  	(tm) =	ssettm $0x7FFFFFFF  }
tec
execute0_lowered:
.L_overlay_start_1:
0x0: {  	(tag) =	ssettag $0x1  }
0x1: {  	s1 =	rddreg [dreg:$0x0]  }
0x2: {  	s4 =	rddreg [dreg:$0x1]  }
0x3: {  	s8 =	rddreg [dreg:$0x2];
	s3 =	simm.s32 $0x0  }
0x4: {  	s5 =	srdreg.scid;
	s2 =	stileid.u32;
	s12 =	simm.s32 $0xA400  }
0x5: {  	s13 =	simm.s32 $0x100;
	s14 =	simm.s32 $0xE400;
	s15 =	simm.s32 $0x180  }
0x6: {  	s16 =	simm.s32 $0x12400;
	s17 =	simm.s32 $0x1;
	s18 =	simm.s32 $0x2  }
0x7: {  	s19 =	simm.s32 $0x3;
	s20 =	simm.s32 $0x4;
	s21 =	simm.s32 $0x5  }
0x8: {  	s22 =	simm.s32 $0x6;
	s23 =	simm.s32 $0x7;
	s7 =	smul.u32 $0x190, s2  }
0x9: {  	s24 =	simm.s32 $0x8;
	s6 =	sand.u32 $0x1, s5;
	s30 =	smul.u32 $0xC8000, s2  }
0xa: {  	s25 =	simm.s32 $0x0;
	s29 =	sshll.u32 s2, $0x1;
	s10 =	smul.u32 $0xC8, s6  }
0xb: {  	s9 =	ssub.s32 $0x2, s6;
	s5 =	sor.u32 s6, s29;
	s31 =	smul.u32 $0x64000, s6  }
0xc: {  	[smem:$0x7FF] =	sst s3;
	s11 =	sshrl.u32 s9, $0x1;
	s5 =	smul.u32 $0xC80, s5  }
.Ltmp0:
0xd: {  	_ =	strace $0x80000047;
	s9 =	ssub.s32 s9, s11;
	(pc) =	sbr.rel .LBB2_1-.Ltmp0, $4  }
0xe: {  	s7 =	sadd.s32 s10, s7;
	s10 =	simm.s32 $0x80;
	s11 =	simm.s32 $0x6400  }
0xf: {  	s4 =	sadd.s32 s4, s5;
	s7 =	sshll.u32 s7, $0xB;
	s5 =	smax.u32 s9, $0x1  }
0x10: {  	s9 =	simm.s32 $0x9;
	s7 =	sadd.s32 s7, s8;
	s8 =	sadd.s32 s30, s8  }
0x11: {  	s6 =	sadd.s32 $0x1800, s7;
	s7 =	sadd.s32 $0x1000, s7;
	s8 =	sadd.s32 s31, s8  }
.LBB2_3:
0x12: {  	_ =	swait.ge [sflag:s22], $0x4000  }
0x13: {  	[sflag:s22] =	ssyncset.done $0x0  }
0x14: {  	[sflag:s22] =	ssyncadd.s32 $0xFFFFC000  }
0x15: {  	_ =	swait.ge [sflag:s23], $0x4000  }
0x16: {  	[sflag:s23] =	ssyncset.done $0x0  }
0x17: {  	[sflag:s23] =	ssyncadd.s32 $0xFFFFC000  }
0x18: {  	_ =	swait.ge [sflag:s24], $0x4000  }
0x19: {  	[sflag:s24] =	ssyncset.done $0x0  }
0x1a: {  	[sflag:s24] =	ssyncadd.s32 $0xFFFFC000  }
.LBB2_5:
0x1b: {  	s25 =	sadd.s32 $0x1, s25  }
0x1c: {  	p0 =	sne.s32 s25, s5  }
.Ltmp1:
0x1d: {  	_ = 	snop;
	(pc) =	sbr.rel @!p0 .LBB2_6-.Ltmp1, $1  }
0x1e: {  	_ =	sdelay $0x3  }
.LBB2_1:
0x1f: {  	[tilespmem:s3], [sflag:$0x9] =	stream.linear.gather [hbm4b:s4+s3], $0x6400, $0x38;
	[tilespmem:$0x16400] =	vst v63  }
0x20: {  	_ =	swait.ge [sflag:s9], $0x6400  }
0x21: {  	[sflag:s9] =	ssyncset.done $0x0  }
0x22: {  	[sflag:s9] =	ssyncadd.s32 $0xFFFF9C00  }
0x23: {  	[tilespmem:s11], [sflag:$0x1] =	stream.indirect.gather [hbm4b:s1+s10], $0x80, s3, s10, $0xb8;
	[tilespmem:$0x16400] =	vst v63  }
0x24: {  	_ = 	snop  }
0x25: {  	[tilespmem:s12], [sflag:$0x2] =	stream.indirect.gather [hbm4b:s1+s10], $0x80, s10, s10, $0xb8;
	[tilespmem:$0x16400] =	vst v63  }
0x26: {  	s26 =	smov.u32 s8  }
0x27: {  	[tilespmem:s14], [sflag:$0x3] =	stream.indirect.gather [hbm4b:s1+s10], $0x80, s13, s10, $0xb8;
	[tilespmem:$0x16400] =	vst v63  }
0x28: {  	s28 =	smov.u32 s7;
	s29 =	smov.u32 s6;
	s30 =	simm.s32 $0x0  }
0x29: {  	[tilespmem:s16], [sflag:$0x4] =	stream.indirect.gather [hbm4b:s1+s10], $0x80, s15, s10, $0xb8;
	[tilespmem:$0x16400] =	vst v63  }
.LBB2_2:
0x2a: {  	_ =	swait.ge [sflag:s17], $0x4000  }
0x2b: {  	[sflag:s17] =	ssyncset.done $0x0  }
0x2c: {  	[sflag:s17] =	ssyncadd.s32 $0xFFFFC000  }
0x2d: {  	[hbm4b:s26+s3] =	stream.linear.scatter [tilespmem:s11], [sflag:$0x5], $0x4000, $0x38;
	[tilespmem:$0x16400] =	vst v63  }
0x2e: {  	_ =	swait.ge [sflag:s18], $0x4000  }
0x2f: {  	[sflag:s18] =	ssyncset.done $0x0  }
0x30: {  	s31 =	sadd.s32 $0xFFFFF000, s29;
	[sflag:s18] =	ssyncadd.s32 $0xFFFFC000  }
0x31: {  	[hbm4b:s31+s3] =	stream.linear.scatter [tilespmem:s12], [sflag:$0x6], $0x4000, $0x38;
	[tilespmem:$0x16400] =	vst v63  }
0x32: {  	_ =	swait.ge [sflag:s19], $0x4000  }
0x33: {  	[sflag:s19] =	ssyncset.done $0x0  }
0x34: {  	[sflag:s19] =	ssyncadd.s32 $0xFFFFC000  }
0x35: {  	[hbm4b:s28+s3] =	stream.linear.scatter [tilespmem:s14], [sflag:$0x7], $0x4000, $0x38;
	[tilespmem:$0x16400] =	vst v63  }
0x36: {  	_ =	swait.ge [sflag:s20], $0x4000  }
0x37: {  	p0 =	sne.s32 s30, $0x18800;
	[sflag:s20] =	ssyncset.done $0x0  }
.Ltmp2:
0x38: {  	[sflag:s20] =	ssyncadd.s32 $0xFFFFC000;
	(pc) =	sbr.rel @!p0 .LBB2_3-.Ltmp2, $4  }
0x39: {  	[hbm4b:s29+s3] =	stream.linear.scatter [tilespmem:s16], [sflag:$0x8], $0x4000, $0x38;
	[tilespmem:$0x16400] =	vst v63  }
0x3a: {  	_ =	swait.ge [sflag:s21], $0x4000  }
0x3b: {  	[sflag:s21] =	ssyncset.done $0x0  }
0x3c: {  	[sflag:s21] =	ssyncadd.s32 $0xFFFFC000  }
0x3d: {  	s31 =	sshra.s32 s30, $0x2  }
0x3e: {  	s0 =	sadd.s32 $0x200, s31  }
0x3f: {  	[tilespmem:s11], [sflag:$0x1] =	stream.indirect.gather [hbm4b:s1+s10], $0x80, s0, s10, $0xb8;
	[tilespmem:$0x16400] =	vst v63  }
0x40: {  	_ =	swait.ge [sflag:s22], $0x4000  }
0x41: {  	[sflag:s22] =	ssyncset.done $0x0  }
0x42: {  	s0 =	sadd.s32 $0x280, s31;
	[sflag:s22] =	ssyncadd.s32 $0xFFFFC000  }
0x43: {  	[tilespmem:s12], [sflag:$0x2] =	stream.indirect.gather [hbm4b:s1+s10], $0x80, s0, s10, $0xb8;
	[tilespmem:$0x16400] =	vst v63  }
0x44: {  	_ =	swait.ge [sflag:s23], $0x4000  }
0x45: {  	s30 =	sadd.s32 $0x800, s30;
	[sflag:s23] =	ssyncset.done $0x0  }
0x46: {  	p0 =	sne.s32 s30, $0x19000;
	s0 =	sadd.s32 $0x300, s31;
	[sflag:s23] =	ssyncadd.s32 $0xFFFFC000  }
0x47: {  	[tilespmem:s14], [sflag:$0x3] =	stream.indirect.gather [hbm4b:s1+s10], $0x80, s0, s10, $0xb8;
	[tilespmem:$0x16400] =	vst v63  }
.Ltmp3:
0x48: {  	_ = 	snop;
	(pc) =	sbr.rel @p0 .LBB2_2-.Ltmp3, $4  }
.Ltmp4:
0x49: {  	_ =	swait.ge [sflag:s24], $0x4000;
	(pc) =	sbr.rel @!p0 .LBB2_5-.Ltmp4, $4  }
0x4a: {  	s29 =	sadd.s32 $0x2000, s29;
	s28 =	sadd.s32 $0x2000, s28;
	[sflag:s24] =	ssyncset.done $0x0  }
0x4b: {  	s26 =	sadd.s32 $0x2000, s26;
	s31 =	sadd.s32 $0x380, s31;
	[sflag:s24] =	ssyncadd.s32 $0xFFFFC000  }
0x4c: {  	[tilespmem:s16], [sflag:$0x4] =	stream.indirect.gather [hbm4b:s1+s10], $0x80, s31, s10, $0xb8;
	[tilespmem:$0x16400] =	vst v63  }
0x4d: {  	_ = 	snop  }
.LBB2_6:
0x4e: {  	_ =	sfence.sel $0x180000  }
0x4f: {  	[bflag:$0x0] =	sbarrier.arrive $0xFFFF  }
0x50: {  	_ =	strace $0x90000047  }
0x51: {  	[bflag:$0x2] =	sbarrier.arrive $0xFFFF  }
0x52: {  	p0 =	sne.s32 s2, $0x0;
	s0 =	rddreg [dreg:$0x3]  }
0x53: {  	s0 =	sadd.s32 @!p0 $0x100000, s0  }
0x54: {  	[sflag:s0] =	ssyncadd.tile.s32 @!p0 $0x1;
	_ =	shalt  }
.Lfunc_end2:
_tile_overlayer_lowered:
.L_overlay_start_2:
0x55: {  	(tag) =	ssettag $0x2  }
0x56: {  	s0 =	rddreg [dreg:$0x0];
	s2 =	stileid.u32  }
0x57: {  	s1 =	rddreg [dreg:$0x1];
	p0 =	sne.s32 s2, $0x0  }
0x58: {  	s3 =	rddreg [dreg:$0x2];
	[bflag:$0x3] =	sbarrier.arrive $0xFFFF;
	s2 =	simm.s32 @!p0 $0x1C09  }
0x59: {  	[timem:s3], [sflag:s2] =	dma.local @!p0 [hbm:s0], s1  }
0x5a: {  	s0 =	simm.s32 @!p0 $0x9  }
0x5b: {  	_ =	swait.ge @!p0 [sflag:s0], s1  }
0x5c: {  	s1 =	ssub.s32 @!p0 $0x0, s1;
	[sflag:s0] =	ssyncset.done @!p0 $0x0  }
0x5d: {  	[sflag:s0] =	ssyncadd.s32 @!p0 s1  }
0x5e: {  	[bflag:$0x3] =	sbarrier.arrive $0xFFFF  }
0x5f: {  	_ =	shalt  }

</sc_bundles>
